<compile_context>
chip_gen: v7x
topology: tpu7x:2x2x1
jax: 0.10.2.dev20260603
libtpu: 0.0.44.dev20260713+nightly
codegen_flags: <defaults>
</compile_context>

<pallas_src>
import functools

import jax
import jax.numpy as jnp
from jax import lax
from jax.experimental import pallas as pl
from jax.experimental.pallas import tpu as pltpu
from jax.experimental.pallas import tpu_sc as plsc

VOCAB = 8192
DIM = 32
N_ROWS = 9216
COMMIT = 0.25
EPS = 1e-05
BN = 256

NW = 32
ROWS_PER_W = N_ROWS // NW
CHUNK = 96
NCHUNK = ROWS_PER_W // CHUNK


def _argmin_body(x_ref, w_ref, idx_ref, en_ref, et_ref, esq_ref):
    i = pl.program_id(0)

    @pl.when(i == 0)
    def _init():
        w = w_ref[...]
        nrm = jnp.sqrt(jnp.sum(w * w, axis=1, keepdims=True))
        en = w / jnp.maximum(nrm, 1e-12)
        en_ref[...] = en
        et32 = en.T
        esq_ref[...] = jnp.sum(et32 * et32, axis=0, keepdims=True)
        et_ref[...] = et32

    x = x_ref[...]
    s = jnp.sum(x * x, axis=1, keepdims=True)
    nmax = jnp.maximum(jnp.sqrt(s), 1e-12)
    xh = x / nmax
    xsq = jnp.sum(xh * xh, axis=1, keepdims=True)
    mm = jnp.dot(xh, et_ref[...], preferred_element_type=jnp.float32)
    scores = xsq + esq_ref[...] - 2.0 * mm
    m = jnp.min(scores, axis=1, keepdims=True)
    cols = lax.broadcasted_iota(jnp.int32, scores.shape, 1)
    idx_ref[...] = jnp.min(jnp.where(scores == m, cols, VOCAB), axis=1,
                           keepdims=True)


def _argmin_call(x2, weight):
    grid = (N_ROWS // BN,)
    return pl.pallas_call(
        _argmin_body,
        grid=grid,
        in_specs=[
            pl.BlockSpec((BN, DIM), lambda i: (i, 0)),
            pl.BlockSpec((VOCAB, DIM), lambda i: (0, 0)),
        ],
        out_specs=[
            pl.BlockSpec((BN, 1), lambda i: (i, 0)),
            pl.BlockSpec((VOCAB, DIM), lambda i: (0, 0)),
        ],
        out_shape=[
            jax.ShapeDtypeStruct((N_ROWS, 1), jnp.int32),
            jax.ShapeDtypeStruct((VOCAB, DIM), jnp.float32),
        ],
        scratch_shapes=[
            pltpu.VMEM((DIM, VOCAB), jnp.float32),
            pltpu.VMEM((1, VOCAB), jnp.float32),
        ],
    )(x2, weight)


def _gather_count_body(en_hbm, idx_hbm, zeros_hbm, q_hbm, cnt_hbm,
                       idx0, idx1, idx2, rows, ones_v, csh, sem):
    c = lax.axis_index("c")
    s = lax.axis_index("s")
    wid = s * 2 + c
    base = wid * ROWS_PER_W
    for k in range(CHUNK // 16):
        ones_v[pl.ds(k * 16, 16)] = jnp.full((16,), 1.0, jnp.float32)

    @pl.when(s == 0)
    def _zero():
        pltpu.sync_copy(zeros_hbm, csh)

    idx_bufs = (idx0, idx1, idx2)
    for j, ib in enumerate(idx_bufs):
        pltpu.sync_copy(idx_hbm.at[pl.ds(base + j * CHUNK, CHUNK)], ib)
        pltpu.async_copy(en_hbm.at[ib], rows.at[pl.ds(j * CHUNK, CHUNK)],
                         sem).wait()
    pltpu.sync_copy(rows, q_hbm.at[pl.ds(base, ROWS_PER_W)])
    plsc.subcore_barrier()
    for ib in idx_bufs:
        pltpu.sync_copy(ones_v, csh.at[ib], add=True)
    plsc.subcore_barrier()

    @pl.when(s == 0)
    def _out():
        pltpu.sync_copy(csh, cnt_hbm.at[c])


def _gather_count_call(en, idx_flat, zeros):
    mesh = plsc.VectorSubcoreMesh(core_axis_name="c", subcore_axis_name="s")
    fn = functools.partial(
        pl.kernel,
        mesh=mesh,
        out_type=[
            jax.ShapeDtypeStruct((N_ROWS, DIM), jnp.float32),
            jax.ShapeDtypeStruct((2, VOCAB), jnp.float32),
        ],
        scratch_types=[
            pltpu.VMEM((CHUNK,), jnp.int32),
            pltpu.VMEM((CHUNK,), jnp.int32),
            pltpu.VMEM((CHUNK,), jnp.int32),
            pltpu.VMEM((ROWS_PER_W, DIM), jnp.float32),
            pltpu.VMEM((CHUNK,), jnp.float32),
            pltpu.VMEM_SHARED((VOCAB,), jnp.float32),
            pltpu.SemaphoreType.DMA,
        ],
        compiler_params=pltpu.CompilerParams(use_tc_tiling_on_sc=False),
    )(_gather_count_body)
    return fn(en, idx_flat, zeros)


def _finish_body(x_ref, q_ref, cp_ref, qst_ref, loss_ref, perp_ref):
    q = q_ref[...]
    x = x_ref[...]
    d = q - x
    m = jnp.sum(d * d, keepdims=True).reshape(1, 1) / float(N_ROWS * DIM)
    loss_ref[...] = m + COMMIT * m
    qst_ref[...] = x + (q - x)
    counts = cp_ref[0:1, :] + cp_ref[1:2, :]
    avg = counts / float(N_ROWS)
    ent = jnp.sum(avg * jnp.log(avg + EPS), keepdims=True).reshape(1, 1)
    perp_ref[...] = jnp.exp(-ent)


def _finish_call(x2, q, cp):
    return pl.pallas_call(
        _finish_body,
        out_shape=[
            jax.ShapeDtypeStruct((N_ROWS, DIM), jnp.float32),
            jax.ShapeDtypeStruct((1, 1), jnp.float32),
            jax.ShapeDtypeStruct((1, 1), jnp.float32),
        ],
    )(x2, q, cp)


def kernel(inputs, weight):
    input_shape = inputs.shape
    x2 = inputs.reshape(N_ROWS, DIM)
    idx2, en = _argmin_call(x2, weight)
    idx_flat = idx2.reshape(N_ROWS)
    zeros = jnp.zeros((VOCAB,), jnp.float32)
    q, cp = _gather_count_call(en, idx_flat, zeros)
    qst, loss, perp = _finish_call(x2, q, cp)
    return (qst.reshape(input_shape), loss.reshape(()), perp.reshape(()),
            idx_flat.reshape(input_shape[0], -1))

# --- scband reference (transcript-rebuilt; emitter-appended) ---
"""Pipeline reference for scband-vi-tvector-quantizer-56856777064890 (READ-ONLY COPY).

The authoritative reference and input builder live on the scoring server;
editing this copy changes nothing except your own understanding.
"""

import jax, jax.numpy as jnp
import numpy as np

VOCAB = 8192
DIM = 32
COMMIT = 0.25
EPS = 1e-05


def _l2_normalize(x, axis=-1, eps=1e-12):
    norm = jnp.sqrt(jnp.sum(x * x, axis=axis, keepdims=True))
    return x / jnp.maximum(norm, eps)


def setup_inputs(seed: int = 0) -> dict:
    key = jax.random.key(seed)
    k1, k2 = jax.random.split(key)
    inputs = jax.random.normal(k1, (16, 576, DIM), dtype=jnp.float32)
    # nn.Embedding weight initialized uniform(-1/vocab, 1/vocab)
    weight = jax.random.uniform(k2, (VOCAB, DIM), dtype=jnp.float32, minval=-1.0 / VOCAB, maxval=1.0 / VOCAB)
    return {"inputs": inputs, "weight": weight}


def reference(inputs, weight):
    input_shape = inputs.shape
    flat_input = inputs.reshape(-1, DIM)
    flat_input = _l2_normalize(flat_input, axis=1)
    embeddings_to_use = _l2_normalize(weight, axis=1)
    distances = (jnp.sum(flat_input ** 2, axis=1, keepdims=True)
                 + jnp.sum(embeddings_to_use ** 2, axis=1)
                 - 2.0 * jnp.matmul(flat_input, embeddings_to_use.T))
    encoding_indices = jnp.argmin(distances, axis=1)
    # one-hot @ codebook == gather of codebook rows
    quantized = jnp.take(embeddings_to_use, encoding_indices, axis=0).reshape(input_shape)
    e_latent_loss = jnp.mean((jax.lax.stop_gradient(quantized) - inputs) ** 2)
    q_latent_loss = jnp.mean((quantized - jax.lax.stop_gradient(inputs)) ** 2)
    loss = q_latent_loss + COMMIT * e_latent_loss
    quantized_st = inputs + jax.lax.stop_gradient(quantized - inputs)
    counts = jnp.bincount(encoding_indices, length=VOCAB)
    avg_probs = counts.astype(jnp.float32) / encoding_indices.shape[0]
    perplexity = jnp.exp(-jnp.sum(avg_probs * jnp.log(avg_probs + EPS)))
    return (quantized_st, loss, perplexity, encoding_indices.reshape(input_shape[0], -1))

if __name__ == "__main__":
    import jax
    _d = setup_inputs()
    print(jax.jit(kernel)(*tuple(_d.values())))

</pallas_src>

<mosaic_0001>
#map = affine_map<(d0, d1) -> (0, 0)>
#map1 = affine_map<(d0, d1) -> (0)>
module attributes {stable_mosaic.version = 14 : i64} {
  func.func @_gather_count_body(%arg0: i32, %arg1: i32, %arg2: memref<8192x32xf32, #tpu.memory_space<hbm>>, %arg3: memref<9216xi32, #tpu.memory_space<hbm>>, %arg4: memref<8192xf32, #tpu.memory_space<hbm>>, %arg5: memref<9216x32xf32, #tpu.memory_space<hbm>>, %arg6: memref<2x8192xf32, #tpu.memory_space<hbm>>, %arg7: memref<96xi32, #tpu.memory_space<vmem>>, %arg8: memref<96xi32, #tpu.memory_space<vmem>>, %arg9: memref<96xi32, #tpu.memory_space<vmem>>, %arg10: memref<288x32xf32, #tpu.memory_space<vmem>>, %arg11: memref<96xf32, #tpu.memory_space<vmem>>, %arg12: memref<8192xf32, #tpu.memory_space<vmem_shared>>, %arg13: memref<!tpu.dma_semaphore, #tpu.memory_space<semaphore_mem>>) attributes {dimension_semantics = [#tpu.dimension_semantics<core_parallel>, #tpu.dimension_semantics<subcore_parallel>], iteration_bounds = array<i64: 2, 16>, scalar_prefetch = 0 : i64, scratch_operands = 7 : i64, tpu.core_type = #tpu.core_type<sc_vector_subcore>, window_params = [{transform_indices = #map}, {transform_indices = #map1}, {transform_indices = #map1}, {transform_indices = #map}, {transform_indices = #map}]} {
    %mul3A = arith.constant 2 : i32
    %mul3A_0 = arith.muli %arg1, %mul3A : i32
    %add3A = arith.addi %mul3A_0, %arg0 : i32
    %mul3A_1 = arith.constant 288 : i32
    %mul3A_2 = arith.muli %add3A, %mul3A_1 : i32
    %broadcast_in_dim3A = arith.constant 1.000000e+00 : f32
    %broadcast_in_dim3A_3 = vector.broadcast %broadcast_in_dim3A : f32 to vector<16xf32>
    %swap3A = arith.constant 0 : index
    %swap3A_4 = tpu.vector_load %arg11[%swap3A] {strides = array<i32>} : memref<96xf32, #tpu.memory_space<vmem>>, vector<16xf32>,
    %swap3A_5 = vector.shape_cast %swap3A_4 : vector<16xf32> to vector<16xf32>
    %swap3A_6 = vector.shape_cast %broadcast_in_dim3A_3 : vector<16xf32> to vector<16xf32>
    tpu.vector_store %arg11[%swap3A], %swap3A_6 {strides = array<i32>} : memref<96xf32, #tpu.memory_space<vmem>>, vector<16xf32>,
    %broadcast_in_dim3A_7 = arith.constant 1.000000e+00 : f32
    %broadcast_in_dim3A_8 = vector.broadcast %broadcast_in_dim3A_7 : f32 to vector<16xf32>
    %swap3A_9 = arith.constant 16 : index
    %swap3A_10 = tpu.vector_load %arg11[%swap3A_9] {strides = array<i32>} : memref<96xf32, #tpu.memory_space<vmem>>, vector<16xf32>,
    %swap3A_11 = vector.shape_cast %swap3A_10 : vector<16xf32> to vector<16xf32>
    %swap3A_12 = vector.shape_cast %broadcast_in_dim3A_8 : vector<16xf32> to vector<16xf32>
    tpu.vector_store %arg11[%swap3A_9], %swap3A_12 {strides = array<i32>} : memref<96xf32, #tpu.memory_space<vmem>>, vector<16xf32>,
    %broadcast_in_dim3A_13 = arith.constant 1.000000e+00 : f32
    %broadcast_in_dim3A_14 = vector.broadcast %broadcast_in_dim3A_13 : f32 to vector<16xf32>
    %swap3A_15 = arith.constant 32 : index
    %swap3A_16 = tpu.vector_load %arg11[%swap3A_15] {strides = array<i32>} : memref<96xf32, #tpu.memory_space<vmem>>, vector<16xf32>,
    %swap3A_17 = vector.shape_cast %swap3A_16 : vector<16xf32> to vector<16xf32>
    %swap3A_18 = vector.shape_cast %broadcast_in_dim3A_14 : vector<16xf32> to vector<16xf32>
    tpu.vector_store %arg11[%swap3A_15], %swap3A_18 {strides = array<i32>} : memref<96xf32, #tpu.memory_space<vmem>>, vector<16xf32>,
    %broadcast_in_dim3A_19 = arith.constant 1.000000e+00 : f32
    %broadcast_in_dim3A_20 = vector.broadcast %broadcast_in_dim3A_19 : f32 to vector<16xf32>
    %swap3A_21 = arith.constant 48 : index
    %swap3A_22 = tpu.vector_load %arg11[%swap3A_21] {strides = array<i32>} : memref<96xf32, #tpu.memory_space<vmem>>, vector<16xf32>,
    %swap3A_23 = vector.shape_cast %swap3A_22 : vector<16xf32> to vector<16xf32>
    %swap3A_24 = vector.shape_cast %broadcast_in_dim3A_20 : vector<16xf32> to vector<16xf32>
    tpu.vector_store %arg11[%swap3A_21], %swap3A_24 {strides = array<i32>} : memref<96xf32, #tpu.memory_space<vmem>>, vector<16xf32>,
    %broadcast_in_dim3A_25 = arith.constant 1.000000e+00 : f32
    %broadcast_in_dim3A_26 = vector.broadcast %broadcast_in_dim3A_25 : f32 to vector<16xf32>
    %swap3A_27 = arith.constant 64 : index
    %swap3A_28 = tpu.vector_load %arg11[%swap3A_27] {strides = array<i32>} : memref<96xf32, #tpu.memory_space<vmem>>, vector<16xf32>,
    %swap3A_29 = vector.shape_cast %swap3A_28 : vector<16xf32> to vector<16xf32>
    %swap3A_30 = vector.shape_cast %broadcast_in_dim3A_26 : vector<16xf32> to vector<16xf32>
    tpu.vector_store %arg11[%swap3A_27], %swap3A_30 {strides = array<i32>} : memref<96xf32, #tpu.memory_space<vmem>>, vector<16xf32>,
    %broadcast_in_dim3A_31 = arith.constant 1.000000e+00 : f32
    %broadcast_in_dim3A_32 = vector.broadcast %broadcast_in_dim3A_31 : f32 to vector<16xf32>
    %swap3A_33 = arith.constant 80 : index
    %swap3A_34 = tpu.vector_load %arg11[%swap3A_33] {strides = array<i32>} : memref<96xf32, #tpu.memory_space<vmem>>, vector<16xf32>,
    %swap3A_35 = vector.shape_cast %swap3A_34 : vector<16xf32> to vector<16xf32>
    %swap3A_36 = vector.shape_cast %broadcast_in_dim3A_32 : vector<16xf32> to vector<16xf32>
    tpu.vector_store %arg11[%swap3A_33], %swap3A_36 {strides = array<i32>} : memref<96xf32, #tpu.memory_space<vmem>>, vector<16xf32>,
    %eq3A = arith.constant 0 : i32
    %eq3A_37 = arith.cmpi eq, %arg1, %eq3A : i32
    %convert_element_type3A = arith.extui %eq3A_37 : i1 to i32
    %cond3A = arith.constant 0 : i32
    %cond3A_38 = arith.cmpi ne, %convert_element_type3A, %cond3A : i32
    scf.if %cond3A_38 {
      "tpu.region"() ({
        %run_scoped3A = tpu.sem_alloc : memref<!tpu.dma_semaphore, #tpu.memory_space<semaphore_mem>>
        tpu.enqueue_dma source(%arg4 : memref<8192xf32, #tpu.memory_space<hbm>>) target(%arg12 : memref<8192xf32, #tpu.memory_space<vmem_shared>>) target_semaphore(%run_scoped3A : memref<!tpu.dma_semaphore, #tpu.memory_space<semaphore_mem>>)
        tpu.wait_dma2 semaphore(%run_scoped3A : memref<!tpu.dma_semaphore, #tpu.memory_space<semaphore_mem>>) src(%arg4 : memref<8192xf32, #tpu.memory_space<hbm>>) dst(%arg12 : memref<8192xf32, #tpu.memory_space<vmem_shared>>)
        tpu.yield
      }) : () -> ()
    } else {
    }
    %add3A_39 = arith.constant 0 : i32
    %add3A_40 = arith.addi %mul3A_2, %add3A_39 : i32
    "tpu.region"() ({
      %run_scoped3A = tpu.sem_alloc : memref<!tpu.dma_semaphore, #tpu.memory_space<semaphore_mem>>
      %dma_start3A_85 = tpu.memref_slice %arg3[%add3A_40] : memref<9216xi32, #tpu.memory_space<hbm>> -> memref<96xi32, #tpu.memory_space<hbm>>
      %dma_start3A_86 = tpu.memref_slice %arg3[%add3A_40] : memref<9216xi32, #tpu.memory_space<hbm>> -> memref<96xi32, #tpu.memory_space<hbm>>
      tpu.enqueue_dma source(%dma_start3A_86 : memref<96xi32, #tpu.memory_space<hbm>>) target(%arg7 : memref<96xi32, #tpu.memory_space<vmem>>) target_semaphore(%run_scoped3A : memref<!tpu.dma_semaphore, #tpu.memory_space<semaphore_mem>>)
      %dma_wait3A_87 = tpu.memref_slice %arg3[%add3A_40] : memref<9216xi32, #tpu.memory_space<hbm>> -> memref<96xi32, #tpu.memory_space<hbm>>
      %dma_wait3A_88 = tpu.memref_slice %arg3[%add3A_40] : memref<9216xi32, #tpu.memory_space<hbm>> -> memref<96xi32, #tpu.memory_space<hbm>>
      tpu.wait_dma2 semaphore(%run_scoped3A : memref<!tpu.dma_semaphore, #tpu.memory_space<semaphore_mem>>) src(%dma_wait3A_88 : memref<96xi32, #tpu.memory_space<hbm>>) dst(%arg7 : memref<96xi32, #tpu.memory_space<vmem>>)
      tpu.yield
    }) : () -> ()
    %dma_start3A = arith.constant 0 : i32
    %dma_start3A_41 = arith.constant 0 : i32
    %dma_start3A_42 = tpu.memref_slice %arg10[%dma_start3A, %dma_start3A_41] : memref<288x32xf32, #tpu.memory_space<vmem>> -> memref<96x32xf32, #tpu.memory_space<vmem>>
    %dma_start3A_43 = arith.constant 0 : i32
    %dma_start3A_44 = arith.constant 0 : i32
    %dma_start3A_45 = tpu.memref_slice %arg2[%dma_start3A_43, %dma_start3A_44] : memref<8192x32xf32, #tpu.memory_space<hbm>> -> memref<8192x32xf32, #tpu.memory_space<hbm>>
    tpu.enqueue_indirect_dma source(%dma_start3A_45 : memref<8192x32xf32, #tpu.memory_space<hbm>>) target(%dma_start3A_42 : memref<96x32xf32, #tpu.memory_space<vmem>>) offsets(%arg7 : memref<96xi32, #tpu.memory_space<vmem>>) semaphore(%arg13 : memref<!tpu.dma_semaphore, #tpu.memory_space<semaphore_mem>>)
    %dma_wait3A = arith.constant 0 : i32
    %dma_wait3A_46 = arith.constant 0 : i32
    %dma_wait3A_47 = tpu.memref_slice %arg10[%dma_wait3A, %dma_wait3A_46] : memref<288x32xf32, #tpu.memory_space<vmem>> -> memref<96x32xf32, #tpu.memory_space<vmem>>
    %dma_wait3A_48 = arith.constant 0 : i32
    %dma_wait3A_49 = arith.constant 0 : i32
    %dma_wait3A_50 = tpu.memref_slice %arg2[%dma_wait3A_48, %dma_wait3A_49] : memref<8192x32xf32, #tpu.memory_space<hbm>> -> memref<8192x32xf32, #tpu.memory_space<hbm>>
    tpu.wait_indirect_dma semaphore(%arg13 : memref<!tpu.dma_semaphore, #tpu.memory_space<semaphore_mem>>) src(%dma_wait3A_50 : memref<8192x32xf32, #tpu.memory_space<hbm>>) dst(%dma_wait3A_47 : memref<96x32xf32, #tpu.memory_space<vmem>>)
    %add3A_51 = arith.constant 96 : i32
    %add3A_52 = arith.addi %mul3A_2, %add3A_51 : i32
    "tpu.region"() ({
      %run_scoped3A = tpu.sem_alloc : memref<!tpu.dma_semaphore, #tpu.memory_space<semaphore_mem>>
      %dma_start3A_85 = tpu.memref_slice %arg3[%add3A_52] : memref<9216xi32, #tpu.memory_space<hbm>> -> memref<96xi32, #tpu.memory_space<hbm>>
      %dma_start3A_86 = tpu.memref_slice %arg3[%add3A_52] : memref<9216xi32, #tpu.memory_space<hbm>> -> memref<96xi32, #tpu.memory_space<hbm>>
      tpu.enqueue_dma source(%dma_start3A_86 : memref<96xi32, #tpu.memory_space<hbm>>) target(%arg8 : memref<96xi32, #tpu.memory_space<vmem>>) target_semaphore(%run_scoped3A : memref<!tpu.dma_semaphore, #tpu.memory_space<semaphore_mem>>)
      %dma_wait3A_87 = tpu.memref_slice %arg3[%add3A_52] : memref<9216xi32, #tpu.memory_space<hbm>> -> memref<96xi32, #tpu.memory_space<hbm>>
      %dma_wait3A_88 = tpu.memref_slice %arg3[%add3A_52] : memref<9216xi32, #tpu.memory_space<hbm>> -> memref<96xi32, #tpu.memory_space<hbm>>
      tpu.wait_dma2 semaphore(%run_scoped3A : memref<!tpu.dma_semaphore, #tpu.memory_space<semaphore_mem>>) src(%dma_wait3A_88 : memref<96xi32, #tpu.memory_space<hbm>>) dst(%arg8 : memref<96xi32, #tpu.memory_space<vmem>>)
      tpu.yield
    }) : () -> ()
    %dma_start3A_53 = arith.constant 96 : i32
    %dma_start3A_54 = arith.constant 0 : i32
    %dma_start3A_55 = tpu.memref_slice %arg10[%dma_start3A_53, %dma_start3A_54] : memref<288x32xf32, #tpu.memory_space<vmem>> -> memref<96x32xf32, #tpu.memory_space<vmem>>
    %dma_start3A_56 = arith.constant 0 : i32
    %dma_start3A_57 = arith.constant 0 : i32
    %dma_start3A_58 = tpu.memref_slice %arg2[%dma_start3A_56, %dma_start3A_57] : memref<8192x32xf32, #tpu.memory_space<hbm>> -> memref<8192x32xf32, #tpu.memory_space<hbm>>
    tpu.enqueue_indirect_dma source(%dma_start3A_58 : memref<8192x32xf32, #tpu.memory_space<hbm>>) target(%dma_start3A_55 : memref<96x32xf32, #tpu.memory_space<vmem>>) offsets(%arg8 : memref<96xi32, #tpu.memory_space<vmem>>) semaphore(%arg13 : memref<!tpu.dma_semaphore, #tpu.memory_space<semaphore_mem>>)
    %dma_wait3A_59 = arith.constant 96 : i32
    %dma_wait3A_60 = arith.constant 0 : i32
    %dma_wait3A_61 = tpu.memref_slice %arg10[%dma_wait3A_59, %dma_wait3A_60] : memref<288x32xf32, #tpu.memory_space<vmem>> -> memref<96x32xf32, #tpu.memory_space<vmem>>
    %dma_wait3A_62 = arith.constant 0 : i32
    %dma_wait3A_63 = arith.constant 0 : i32
    %dma_wait3A_64 = tpu.memref_slice %arg2[%dma_wait3A_62, %dma_wait3A_63] : memref<8192x32xf32, #tpu.memory_space<hbm>> -> memref<8192x32xf32, #tpu.memory_space<hbm>>
    tpu.wait_indirect_dma semaphore(%arg13 : memref<!tpu.dma_semaphore, #tpu.memory_space<semaphore_mem>>) src(%dma_wait3A_64 : memref<8192x32xf32, #tpu.memory_space<hbm>>) dst(%dma_wait3A_61 : memref<96x32xf32, #tpu.memory_space<vmem>>)
    %add3A_65 = arith.constant 192 : i32
    %add3A_66 = arith.addi %mul3A_2, %add3A_65 : i32
    "tpu.region"() ({
      %run_scoped3A = tpu.sem_alloc : memref<!tpu.dma_semaphore, #tpu.memory_space<semaphore_mem>>
      %dma_start3A_85 = tpu.memref_slice %arg3[%add3A_66] : memref<9216xi32, #tpu.memory_space<hbm>> -> memref<96xi32, #tpu.memory_space<hbm>>
      %dma_start3A_86 = tpu.memref_slice %arg3[%add3A_66] : memref<9216xi32, #tpu.memory_space<hbm>> -> memref<96xi32, #tpu.memory_space<hbm>>
      tpu.enqueue_dma source(%dma_start3A_86 : memref<96xi32, #tpu.memory_space<hbm>>) target(%arg9 : memref<96xi32, #tpu.memory_space<vmem>>) target_semaphore(%run_scoped3A : memref<!tpu.dma_semaphore, #tpu.memory_space<semaphore_mem>>)
      %dma_wait3A_87 = tpu.memref_slice %arg3[%add3A_66] : memref<9216xi32, #tpu.memory_space<hbm>> -> memref<96xi32, #tpu.memory_space<hbm>>
      %dma_wait3A_88 = tpu.memref_slice %arg3[%add3A_66] : memref<9216xi32, #tpu.memory_space<hbm>> -> memref<96xi32, #tpu.memory_space<hbm>>
      tpu.wait_dma2 semaphore(%run_scoped3A : memref<!tpu.dma_semaphore, #tpu.memory_space<semaphore_mem>>) src(%dma_wait3A_88 : memref<96xi32, #tpu.memory_space<hbm>>) dst(%arg9 : memref<96xi32, #tpu.memory_space<vmem>>)
      tpu.yield
    }) : () -> ()
    %dma_start3A_67 = arith.constant 192 : i32
    %dma_start3A_68 = arith.constant 0 : i32
    %dma_start3A_69 = tpu.memref_slice %arg10[%dma_start3A_67, %dma_start3A_68] : memref<288x32xf32, #tpu.memory_space<vmem>> -> memref<96x32xf32, #tpu.memory_space<vmem>>
    %dma_start3A_70 = arith.constant 0 : i32
    %dma_start3A_71 = arith.constant 0 : i32
    %dma_start3A_72 = tpu.memref_slice %arg2[%dma_start3A_70, %dma_start3A_71] : memref<8192x32xf32, #tpu.memory_space<hbm>> -> memref<8192x32xf32, #tpu.memory_space<hbm>>
    tpu.enqueue_indirect_dma source(%dma_start3A_72 : memref<8192x32xf32, #tpu.memory_space<hbm>>) target(%dma_start3A_69 : memref<96x32xf32, #tpu.memory_space<vmem>>) offsets(%arg9 : memref<96xi32, #tpu.memory_space<vmem>>) semaphore(%arg13 : memref<!tpu.dma_semaphore, #tpu.memory_space<semaphore_mem>>)
    %dma_wait3A_73 = arith.constant 192 : i32
    %dma_wait3A_74 = arith.constant 0 : i32
    %dma_wait3A_75 = tpu.memref_slice %arg10[%dma_wait3A_73, %dma_wait3A_74] : memref<288x32xf32, #tpu.memory_space<vmem>> -> memref<96x32xf32, #tpu.memory_space<vmem>>
    %dma_wait3A_76 = arith.constant 0 : i32
    %dma_wait3A_77 = arith.constant 0 : i32
    %dma_wait3A_78 = tpu.memref_slice %arg2[%dma_wait3A_76, %dma_wait3A_77] : memref<8192x32xf32, #tpu.memory_space<hbm>> -> memref<8192x32xf32, #tpu.memory_space<hbm>>
    tpu.wait_indirect_dma semaphore(%arg13 : memref<!tpu.dma_semaphore, #tpu.memory_space<semaphore_mem>>) src(%dma_wait3A_78 : memref<8192x32xf32, #tpu.memory_space<hbm>>) dst(%dma_wait3A_75 : memref<96x32xf32, #tpu.memory_space<vmem>>)
    "tpu.region"() ({
      %run_scoped3A = tpu.sem_alloc : memref<!tpu.dma_semaphore, #tpu.memory_space<semaphore_mem>>
      %dma_start3A_85 = arith.constant 0 : i32
      %dma_start3A_86 = tpu.memref_slice %arg5[%mul3A_2, %dma_start3A_85] : memref<9216x32xf32, #tpu.memory_space<hbm>> -> memref<288x32xf32, #tpu.memory_space<hbm>>
      %dma_start3A_87 = arith.constant 0 : i32
      %dma_start3A_88 = tpu.memref_slice %arg5[%mul3A_2, %dma_start3A_87] : memref<9216x32xf32, #tpu.memory_space<hbm>> -> memref<288x32xf32, #tpu.memory_space<hbm>>
      tpu.enqueue_dma source(%arg10 : memref<288x32xf32, #tpu.memory_space<vmem>>) target(%dma_start3A_88 : memref<288x32xf32, #tpu.memory_space<hbm>>) target_semaphore(%run_scoped3A : memref<!tpu.dma_semaphore, #tpu.memory_space<semaphore_mem>>)
      %dma_wait3A_89 = arith.constant 0 : i32
      %dma_wait3A_90 = tpu.memref_slice %arg5[%mul3A_2, %dma_wait3A_89] : memref<9216x32xf32, #tpu.memory_space<hbm>> -> memref<288x32xf32, #tpu.memory_space<hbm>>
      %dma_wait3A_91 = arith.constant 0 : i32
      %dma_wait3A_92 = tpu.memref_slice %arg5[%mul3A_2, %dma_wait3A_91] : memref<9216x32xf32, #tpu.memory_space<hbm>> -> memref<288x32xf32, #tpu.memory_space<hbm>>
      tpu.wait_dma2 semaphore(%run_scoped3A : memref<!tpu.dma_semaphore, #tpu.memory_space<semaphore_mem>>) src(%arg10 : memref<288x32xf32, #tpu.memory_space<vmem>>) dst(%dma_wait3A_92 : memref<288x32xf32, #tpu.memory_space<hbm>>)
      tpu.yield
    }) : () -> ()
    %barrier3A = arith.constant 0 : index
    tpu.barrier barrier_id(%barrier3A)
    "tpu.region"() ({
      %run_scoped3A = tpu.sem_alloc : memref<!tpu.dma_semaphore, #tpu.memory_space<semaphore_mem>>
      %dma_start3A_85 = arith.constant 0 : i32
      %dma_start3A_86 = tpu.memref_slice %arg12[%dma_start3A_85] : memref<8192xf32, #tpu.memory_space<vmem_shared>> -> memref<8192xf32, #tpu.memory_space<vmem_shared>>
      tpu.enqueue_indirect_dma source(%arg11 : memref<96xf32, #tpu.memory_space<vmem>>) target(%dma_start3A_86 : memref<8192xf32, #tpu.memory_space<vmem_shared>>) offsets(%arg7 : memref<96xi32, #tpu.memory_space<vmem>>) semaphore(%run_scoped3A : memref<!tpu.dma_semaphore, #tpu.memory_space<semaphore_mem>>) {add = true}
      %dma_wait3A_87 = arith.constant 0 : i32
      %dma_wait3A_88 = tpu.memref_slice %arg12[%dma_wait3A_87] : memref<8192xf32, #tpu.memory_space<vmem_shared>> -> memref<8192xf32, #tpu.memory_space<vmem_shared>>
      tpu.wait_indirect_dma semaphore(%run_scoped3A : memref<!tpu.dma_semaphore, #tpu.memory_space<semaphore_mem>>) src(%arg11 : memref<96xf32, #tpu.memory_space<vmem>>) dst(%dma_wait3A_88 : memref<8192xf32, #tpu.memory_space<vmem_shared>>)
      tpu.yield
    }) : () -> ()
    "tpu.region"() ({
      %run_scoped3A = tpu.sem_alloc : memref<!tpu.dma_semaphore, #tpu.memory_space<semaphore_mem>>
      %dma_start3A_85 = arith.constant 0 : i32
      %dma_start3A_86 = tpu.memref_slice %arg12[%dma_start3A_85] : memref<8192xf32, #tpu.memory_space<vmem_shared>> -> memref<8192xf32, #tpu.memory_space<vmem_shared>>
      tpu.enqueue_indirect_dma source(%arg11 : memref<96xf32, #tpu.memory_space<vmem>>) target(%dma_start3A_86 : memref<8192xf32, #tpu.memory_space<vmem_shared>>) offsets(%arg8 : memref<96xi32, #tpu.memory_space<vmem>>) semaphore(%run_scoped3A : memref<!tpu.dma_semaphore, #tpu.memory_space<semaphore_mem>>) {add = true}
      %dma_wait3A_87 = arith.constant 0 : i32
      %dma_wait3A_88 = tpu.memref_slice %arg12[%dma_wait3A_87] : memref<8192xf32, #tpu.memory_space<vmem_shared>> -> memref<8192xf32, #tpu.memory_space<vmem_shared>>
      tpu.wait_indirect_dma semaphore(%run_scoped3A : memref<!tpu.dma_semaphore, #tpu.memory_space<semaphore_mem>>) src(%arg11 : memref<96xf32, #tpu.memory_space<vmem>>) dst(%dma_wait3A_88 : memref<8192xf32, #tpu.memory_space<vmem_shared>>)
      tpu.yield
    }) : () -> ()
    "tpu.region"() ({
      %run_scoped3A = tpu.sem_alloc : memref<!tpu.dma_semaphore, #tpu.memory_space<semaphore_mem>>
      %dma_start3A_85 = arith.constant 0 : i32
      %dma_start3A_86 = tpu.memref_slice %arg12[%dma_start3A_85] : memref<8192xf32, #tpu.memory_space<vmem_shared>> -> memref<8192xf32, #tpu.memory_space<vmem_shared>>
      tpu.enqueue_indirect_dma source(%arg11 : memref<96xf32, #tpu.memory_space<vmem>>) target(%dma_start3A_86 : memref<8192xf32, #tpu.memory_space<vmem_shared>>) offsets(%arg9 : memref<96xi32, #tpu.memory_space<vmem>>) semaphore(%run_scoped3A : memref<!tpu.dma_semaphore, #tpu.memory_space<semaphore_mem>>) {add = true}
      %dma_wait3A_87 = arith.constant 0 : i32
      %dma_wait3A_88 = tpu.memref_slice %arg12[%dma_wait3A_87] : memref<8192xf32, #tpu.memory_space<vmem_shared>> -> memref<8192xf32, #tpu.memory_space<vmem_shared>>
      tpu.wait_indirect_dma semaphore(%run_scoped3A : memref<!tpu.dma_semaphore, #tpu.memory_space<semaphore_mem>>) src(%arg11 : memref<96xf32, #tpu.memory_space<vmem>>) dst(%dma_wait3A_88 : memref<8192xf32, #tpu.memory_space<vmem_shared>>)
      tpu.yield
    }) : () -> ()
    %barrier3A_79 = arith.constant 0 : index
    tpu.barrier barrier_id(%barrier3A_79)
    %eq3A_80 = arith.constant 0 : i32
    %eq3A_81 = arith.cmpi eq, %arg1, %eq3A_80 : i32
    %convert_element_type3A_82 = arith.extui %eq3A_81 : i1 to i32
    %cond3A_83 = arith.constant 0 : i32
    %cond3A_84 = arith.cmpi ne, %convert_element_type3A_82, %cond3A_83 : i32
    scf.if %cond3A_84 {
      "tpu.region"() ({
        %run_scoped3A = tpu.sem_alloc : memref<!tpu.dma_semaphore, #tpu.memory_space<semaphore_mem>>
        %dma_start3A_85 = arith.constant 0 : i32
        %dma_start3A_86 = tpu.memref_slice %arg6[%arg0, %dma_start3A_85] : memref<2x8192xf32, #tpu.memory_space<hbm>> -> memref<1x8192xf32, #tpu.memory_space<hbm>>
        %dma_start3A_87 = tpu.memref_squeeze %dma_start3A_86 : memref<1x8192xf32, #tpu.memory_space<hbm>> -> memref<8192xf32, #tpu.memory_space<hbm>>
        tpu.enqueue_dma source(%arg12 : memref<8192xf32, #tpu.memory_space<vmem_shared>>) target(%dma_start3A_87 : memref<8192xf32, #tpu.memory_space<hbm>>) target_semaphore(%run_scoped3A : memref<!tpu.dma_semaphore, #tpu.memory_space<semaphore_mem>>)
        %dma_wait3A_88 = arith.constant 0 : i32
        %dma_wait3A_89 = tpu.memref_slice %arg6[%arg0, %dma_wait3A_88] : memref<2x8192xf32, #tpu.memory_space<hbm>> -> memref<1x8192xf32, #tpu.memory_space<hbm>>
        %dma_wait3A_90 = tpu.memref_squeeze %dma_wait3A_89 : memref<1x8192xf32, #tpu.memory_space<hbm>> -> memref<8192xf32, #tpu.memory_space<hbm>>
        tpu.wait_dma2 semaphore(%run_scoped3A : memref<!tpu.dma_semaphore, #tpu.memory_space<semaphore_mem>>) src(%arg12 : memref<8192xf32, #tpu.memory_space<vmem_shared>>) dst(%dma_wait3A_90 : memref<8192xf32, #tpu.memory_space<hbm>>)
        tpu.yield
      }) : () -> ()
    } else {
    }
    return
  }
}

module attributes {stable_mosaic.version = 14 : i64} {
  func.func @_argmin_body(%arg0: i32, %arg1: memref<256x32xf32, #tpu.memory_space<vmem>>, %arg2: memref<8192x32xf32, #tpu.memory_space<vmem>>, %arg3: memref<256x1xi32, #tpu.memory_space<vmem>>, %arg4: memref<8192x32xf32, #tpu.memory_space<vmem>>, %arg5: memref<32x8192xf32, #tpu.memory_space<vmem>>, %arg6: memref<1x8192xf32, #tpu.memory_space<vmem>>) attributes {dimension_semantics = [#tpu.dimension_semantics<arbitrary>], iteration_bounds = array<i64: 36>, scalar_prefetch = 0 : i64, scratch_operands = 2 : i64, tpu.core_type = #tpu.core_type<tc>, window_params = [{transform_indices = @transform_0, window_bounds = array<i64: 256, 32>}, {pipeline_mode = #tpu.pipeline_mode<synchronous>, transform_indices = @transform_1, window_bounds = array<i64: 8192, 32>}, {transform_indices = @transform_2, window_bounds = array<i64: 256, 1>}, {pipeline_mode = #tpu.pipeline_mode<synchronous>, transform_indices = @transform_3, window_bounds = array<i64: 8192, 32>}]} {
    %eq3A = arith.constant 0 : i32
    %eq3A_0 = arith.cmpi eq, %arg0, %eq3A : i32
    %convert_element_type3A = arith.extui %eq3A_0 : i1 to i32
    %cond3A = arith.constant 0 : i32
    %cond3A_1 = arith.cmpi ne, %convert_element_type3A, %cond3A : i32
    scf.if %cond3A_1 {
      %get3A_34 = arith.constant 0 : index
      %get3A_35 = arith.constant 0 : index
      %get3A_36 = vector.load %arg2[%get3A_34, %get3A_35] : memref<8192x32xf32, #tpu.memory_space<vmem>>, vector<8192x32xf32>
      %mul3A_37 = arith.mulf %get3A_36, %get3A_36 : vector<8192x32xf32>
      %reduce_sum3A_38 = arith.constant dense<0.000000e+00> : vector<8192xf32>
      %reduce_sum3A_39 = vector.multi_reduction <add>, %mul3A_37, %reduce_sum3A_38 [1] : vector<8192x32xf32> to vector<8192xf32>
      %broadcast_in_dim3A_40 = vector.shape_cast %reduce_sum3A_39 : vector<8192xf32> to vector<8192x1xf32>
      %sqrt3A_41 = math.sqrt %broadcast_in_dim3A_40 : vector<8192x1xf32>
      %max3A_42 = arith.constant 9.99999996E-13 : f32
      %max3A_43 = vector.broadcast %max3A_42 : f32 to vector<8192x1xf32>
      %max3A_44 = arith.maximumf %sqrt3A_41, %max3A_43 : vector<8192x1xf32>
      %div3A_45 = vector.broadcast %max3A_44 : vector<8192x1xf32> to vector<8192x32xf32>
      %div3A_46 = arith.divf %get3A_36, %div3A_45 : vector<8192x32xf32>
      %swap3A_47 = arith.constant 0 : index
      %swap3A_48 = arith.constant 0 : index
      %swap3A_49 = vector.load %arg4[%swap3A_47, %swap3A_48] : memref<8192x32xf32, #tpu.memory_space<vmem>>, vector<8192x32xf32>
      tpu.vector_store %arg4[%swap3A_47, %swap3A_48], %div3A_46 {strides = array<i32>} : memref<8192x32xf32, #tpu.memory_space<vmem>>, vector<8192x32xf32>,
      %transpose3A = tpu.transpose %div3A_46, [1, 0] : vector<8192x32xf32> -> vector<32x8192xf32>
      %mul3A_50 = arith.mulf %transpose3A, %transpose3A : vector<32x8192xf32>
      %reduce_sum3A_51 = arith.constant dense<0.000000e+00> : vector<8192xf32>
      %reduce_sum3A_52 = vector.multi_reduction <add>, %mul3A_50, %reduce_sum3A_51 [0] : vector<32x8192xf32> to vector<8192xf32>
      %broadcast_in_dim3A_53 = vector.shape_cast %reduce_sum3A_52 : vector<8192xf32> to vector<1x8192xf32>
      %swap3A_54 = arith.constant 0 : index
      %swap3A_55 = arith.constant 0 : index
      %swap3A_56 = vector.load %arg6[%swap3A_54, %swap3A_55] : memref<1x8192xf32, #tpu.memory_space<vmem>>, vector<1x8192xf32>
      tpu.vector_store %arg6[%swap3A_54, %swap3A_55], %broadcast_in_dim3A_53 {strides = array<i32>} : memref<1x8192xf32, #tpu.memory_space<vmem>>, vector<1x8192xf32>,
      %swap3A_57 = arith.constant 0 : index
      %swap3A_58 = arith.constant 0 : index
      %swap3A_59 = vector.load %arg5[%swap3A_57, %swap3A_58] : memref<32x8192xf32, #tpu.memory_space<vmem>>, vector<32x8192xf32>
      tpu.vector_store %arg5[%swap3A_57, %swap3A_58], %transpose3A {strides = array<i32>} : memref<32x8192xf32, #tpu.memory_space<vmem>>, vector<32x8192xf32>,
    } else {
    }
    %get3A = arith.constant 0 : index
    %get3A_2 = arith.constant 0 : index
    %get3A_3 = vector.load %arg1[%get3A, %get3A_2] : memref<256x32xf32, #tpu.memory_space<vmem>>, vector<256x32xf32>
    %mul3A = arith.mulf %get3A_3, %get3A_3 : vector<256x32xf32>
    %reduce_sum3A = arith.constant dense<0.000000e+00> : vector<256xf32>
    %reduce_sum3A_4 = vector.multi_reduction <add>, %mul3A, %reduce_sum3A [1] : vector<256x32xf32> to vector<256xf32>
    %broadcast_in_dim3A = vector.shape_cast %reduce_sum3A_4 : vector<256xf32> to vector<256x1xf32>
    %sqrt3A = math.sqrt %broadcast_in_dim3A : vector<256x1xf32>
    %max3A = arith.constant 9.99999996E-13 : f32
    %max3A_5 = vector.broadcast %max3A : f32 to vector<256x1xf32>
    %max3A_6 = arith.maximumf %sqrt3A, %max3A_5 : vector<256x1xf32>
    %div3A = vector.broadcast %max3A_6 : vector<256x1xf32> to vector<256x32xf32>
    %div3A_7 = arith.divf %get3A_3, %div3A : vector<256x32xf32>
    %mul3A_8 = arith.mulf %div3A_7, %div3A_7 : vector<256x32xf32>
    %reduce_sum3A_9 = arith.constant dense<0.000000e+00> : vector<256xf32>
    %reduce_sum3A_10 = vector.multi_reduction <add>, %mul3A_8, %reduce_sum3A_9 [1] : vector<256x32xf32> to vector<256xf32>
    %broadcast_in_dim3A_11 = vector.shape_cast %reduce_sum3A_10 : vector<256xf32> to vector<256x1xf32>
    %get3A_12 = arith.constant 0 : index
    %get3A_13 = arith.constant 0 : index
    %get3A_14 = vector.load %arg5[%get3A_12, %get3A_13] : memref<32x8192xf32, #tpu.memory_space<vmem>>, vector<32x8192xf32>
    %dot_general3A = arith.constant dense<0.000000e+00> : vector<256x8192xf32>
    %dot_general3A_15 = tpu.matmul %div3A_7, %get3A_14, %dot_general3A {dimension_numbers = #tpu.dot_dimension_numbers<[1], [0], [0], [1], [0, 0, 1, 1], [], []>, transpose_lhs_hint = false} : vector<256x32xf32>, vector<32x8192xf32>, vector<256x8192xf32> -> vector<256x8192xf32>
    %get3A_16 = arith.constant 0 : index
    %get3A_17 = arith.constant 0 : index
    %get3A_18 = vector.load %arg6[%get3A_16, %get3A_17] : memref<1x8192xf32, #tpu.memory_space<vmem>>, vector<1x8192xf32>
    %add3A = vector.broadcast %broadcast_in_dim3A_11 : vector<256x1xf32> to vector<256x8192xf32>
    %add3A_19 = vector.broadcast %get3A_18 : vector<1x8192xf32> to vector<256x8192xf32>
    %add3A_20 = arith.addf %add3A, %add3A_19 : vector<256x8192xf32>
    %mul3A_21 = arith.constant 2.000000e+00 : f32
    %mul3A_22 = vector.broadcast %mul3A_21 : f32 to vector<256x8192xf32>
    %mul3A_23 = arith.mulf %mul3A_22, %dot_general3A_15 : vector<256x8192xf32>
    %sub3A = arith.subf %add3A_20, %mul3A_23 : vector<256x8192xf32>
    %reduce_min3A = arith.constant dense<0x7F800000> : vector<256xf32>
    %reduce_min3A_24 = vector.multi_reduction <minimumf>, %sub3A, %reduce_min3A [1] : vector<256x8192xf32> to vector<256xf32>
    %broadcast_in_dim3A_25 = vector.shape_cast %reduce_min3A_24 : vector<256xf32> to vector<256x1xf32>
    %iota3A = tpu.iota {dimensions = array<i32: 1>} : vector<256x8192xi32>
    %eq3A_26 = vector.broadcast %broadcast_in_dim3A_25 : vector<256x1xf32> to vector<256x8192xf32>
    %eq3A_27 = arith.cmpf oeq, %sub3A, %eq3A_26 : vector<256x8192xf32>
    %jit3A = arith.constant 8192 : i32
    %broadcast_in_dim3A_28 = vector.broadcast %jit3A : i32 to vector<256x8192xi32>
    %select_n3A = arith.select %eq3A_27, %iota3A, %broadcast_in_dim3A_28 : vector<256x8192xi1>, vector<256x8192xi32>
    %reduce_min3A_29 = arith.constant dense<2147483647> : vector<256xi32>
    %reduce_min3A_30 = vector.multi_reduction <minsi>, %select_n3A, %reduce_min3A_29 [1] : vector<256x8192xi32> to vector<256xi32>
    %broadcast_in_dim3A_31 = vector.shape_cast %reduce_min3A_30 : vector<256xi32> to vector<256x1xi32>
    %swap3A = arith.constant 0 : index
    %swap3A_32 = arith.constant 0 : index
    %swap3A_33 = vector.load %arg3[%swap3A, %swap3A_32] : memref<256x1xi32, #tpu.memory_space<vmem>>, vector<256x1xi32>
    tpu.vector_store %arg3[%swap3A, %swap3A_32], %broadcast_in_dim3A_31 {strides = array<i32>} : memref<256x1xi32, #tpu.memory_space<vmem>>, vector<256x1xi32>,
    return
  }
  func.func @transform_0(%arg0: i32) -> (i32, i32) {
    %c0_i32 = arith.constant 0 : i32
    %c0_i32_0 = arith.constant 0 : i32
    return %arg0, %c0_i32 : i32, i32
  }
  func.func @transform_1(%arg0: i32) -> (i32, i32) {
    %c0_i32 = arith.constant 0 : i32
    %c0_i32_0 = arith.constant 0 : i32
    %c0_i32_1 = arith.constant 0 : i32
    return %c0_i32, %c0_i32_0 : i32, i32
  }
  func.func @transform_2(%arg0: i32) -> (i32, i32) {
    %c0_i32 = arith.constant 0 : i32
    %c0_i32_0 = arith.constant 0 : i32
    return %arg0, %c0_i32 : i32, i32
  }
  func.func @transform_3(%arg0: i32) -> (i32, i32) {
    %c0_i32 = arith.constant 0 : i32
    %c0_i32_0 = arith.constant 0 : i32
    %c0_i32_1 = arith.constant 0 : i32
    return %c0_i32, %c0_i32_0 : i32, i32
  }
}

module attributes {stable_mosaic.version = 14 : i64} {
  func.func @_finish_body(%arg0: memref<9216x32xf32, #tpu.memory_space<vmem>>, %arg1: memref<9216x32xf32, #tpu.memory_space<vmem>>, %arg2: memref<2x8192xf32, #tpu.memory_space<vmem>>, %arg3: memref<9216x32xf32, #tpu.memory_space<vmem>>, %arg4: memref<1x1xf32, #tpu.memory_space<vmem>>, %arg5: memref<1x1xf32, #tpu.memory_space<vmem>>) attributes {dimension_semantics = [], scalar_prefetch = 0 : i64, scratch_operands = 0 : i64, tpu.core_type = #tpu.core_type<tc>} {
    %get3A = arith.constant 0 : index
    %get3A_0 = arith.constant 0 : index
    %get3A_1 = vector.load %arg1[%get3A, %get3A_0] : memref<9216x32xf32, #tpu.memory_space<vmem>>, vector<9216x32xf32>
    %get3A_2 = arith.constant 0 : index
    %get3A_3 = arith.constant 0 : index
    %get3A_4 = vector.load %arg0[%get3A_2, %get3A_3] : memref<9216x32xf32, #tpu.memory_space<vmem>>, vector<9216x32xf32>
    %sub3A = arith.subf %get3A_1, %get3A_4 : vector<9216x32xf32>
    %mul3A = arith.mulf %sub3A, %sub3A : vector<9216x32xf32>
    %reduce_sum3A = vector.shape_cast %mul3A : vector<9216x32xf32> to vector<1x9216x32xf32>
    %reduce_sum3A_5 = arith.constant dense<0.000000e+00> : vector<1xf32>
    %reduce_sum3A_6 = vector.multi_reduction <add>, %reduce_sum3A, %reduce_sum3A_5 [1, 2] : vector<1x9216x32xf32> to vector<1xf32>
    %reduce_sum3A_7 = vector.shape_cast %reduce_sum3A_6 : vector<1xf32> to vector<1x1x1xf32>
    %reduce_sum3A_8 = vector.extract %reduce_sum3A_7[0, 0, 0] : f32 from vector<1x1x1xf32>
    %broadcast_in_dim3A = vector.broadcast %reduce_sum3A_8 : f32 to vector<1x1xf32>
    %div3A = arith.constant 2.949120e+05 : f32
    %div3A_9 = vector.broadcast %div3A : f32 to vector<1x1xf32>
    %div3A_10 = arith.divf %broadcast_in_dim3A, %div3A_9 : vector<1x1xf32>
    %mul3A_11 = arith.constant 2.500000e-01 : f32
    %mul3A_12 = vector.broadcast %mul3A_11 : f32 to vector<1x1xf32>
    %mul3A_13 = arith.mulf %mul3A_12, %div3A_10 : vector<1x1xf32>
    %add3A = arith.addf %div3A_10, %mul3A_13 : vector<1x1xf32>
    %swap3A = arith.constant 0 : index
    %swap3A_14 = arith.constant 0 : index
    %swap3A_15 = vector.load %arg4[%swap3A, %swap3A_14] : memref<1x1xf32, #tpu.memory_space<vmem>>, vector<1x1xf32>
    tpu.vector_store %arg4[%swap3A, %swap3A_14], %add3A {strides = array<i32>} : memref<1x1xf32, #tpu.memory_space<vmem>>, vector<1x1xf32>,
    %sub3A_16 = arith.subf %get3A_1, %get3A_4 : vector<9216x32xf32>
    %add3A_17 = arith.addf %get3A_4, %sub3A_16 : vector<9216x32xf32>
    %swap3A_18 = arith.constant 0 : index
    %swap3A_19 = arith.constant 0 : index
    %swap3A_20 = vector.load %arg3[%swap3A_18, %swap3A_19] : memref<9216x32xf32, #tpu.memory_space<vmem>>, vector<9216x32xf32>
    tpu.vector_store %arg3[%swap3A_18, %swap3A_19], %add3A_17 {strides = array<i32>} : memref<9216x32xf32, #tpu.memory_space<vmem>>, vector<9216x32xf32>,
    %get3A_21 = arith.constant 0 : index
    %get3A_22 = arith.constant 0 : index
    %get3A_23 = vector.load %arg2[%get3A_21, %get3A_22] : memref<2x8192xf32, #tpu.memory_space<vmem>>, vector<1x8192xf32>
    %get3A_24 = arith.constant 1 : index
    %get3A_25 = arith.constant 0 : index
    %get3A_26 = vector.load %arg2[%get3A_24, %get3A_25] : memref<2x8192xf32, #tpu.memory_space<vmem>>, vector<1x8192xf32>
    %add3A_27 = arith.addf %get3A_23, %get3A_26 : vector<1x8192xf32>
    %div3A_28 = arith.constant 9.216000e+03 : f32
    %div3A_29 = vector.broadcast %div3A_28 : f32 to vector<1x8192xf32>
    %div3A_30 = arith.divf %add3A_27, %div3A_29 : vector<1x8192xf32>
    %add3A_31 = arith.constant 9.99999974E-6 : f32
    %add3A_32 = vector.broadcast %add3A_31 : f32 to vector<1x8192xf32>
    %add3A_33 = arith.addf %div3A_30, %add3A_32 : vector<1x8192xf32>
    %log3A = math.log %add3A_33 : vector<1x8192xf32>
    %mul3A_34 = arith.mulf %div3A_30, %log3A : vector<1x8192xf32>
    %reduce_sum3A_35 = vector.shape_cast %mul3A_34 : vector<1x8192xf32> to vector<1x1x8192xf32>
    %reduce_sum3A_36 = arith.constant dense<0.000000e+00> : vector<1xf32>
    %reduce_sum3A_37 = vector.multi_reduction <add>, %reduce_sum3A_35, %reduce_sum3A_36 [1, 2] : vector<1x1x8192xf32> to vector<1xf32>
    %reduce_sum3A_38 = vector.shape_cast %reduce_sum3A_37 : vector<1xf32> to vector<1x1x1xf32>
    %reduce_sum3A_39 = vector.extract %reduce_sum3A_38[0, 0, 0] : f32 from vector<1x1x1xf32>
    %broadcast_in_dim3A_40 = vector.broadcast %reduce_sum3A_39 : f32 to vector<1x1xf32>
    %neg3A = arith.constant 0.000000e+00 : f32
    %neg3A_41 = vector.broadcast %neg3A : f32 to vector<1x1xf32>
    %neg3A_42 = arith.subf %neg3A_41, %broadcast_in_dim3A_40 : vector<1x1xf32>
    %exp3A = math.exp %neg3A_42 : vector<1x1xf32>
    %swap3A_43 = arith.constant 0 : index
    %swap3A_44 = arith.constant 0 : index
    %swap3A_45 = vector.load %arg5[%swap3A_43, %swap3A_44] : memref<1x1xf32, #tpu.memory_space<vmem>>, vector<1x1xf32>
    tpu.vector_store %arg5[%swap3A_43, %swap3A_44], %exp3A {strides = array<i32>} : memref<1x1xf32, #tpu.memory_space<vmem>>, vector<1x1xf32>,
    return
  }
}

</mosaic_0001>

<sc_bundles>
// kernel: kernel.5.cloned.1.call-start
scs
__scs_entry_jumppad:
0x0: {  	(pc) =	sbr.rel $0x88, $3  }
0x1: {  	(tag) =	ssettag $0x0;
	lr =	simm.s32 $0x1  }
0x2: {  	[smem:$0x3F9F] =	sst lr;
	_ =	strace $0xD0000000  }
0x3: {  	_ = 	snop  }
0x4: {  	_ = 	snop  }
0x5: {  	_ = 	snop  }
0x6: {  	_ = 	snop  }
0x7: {  	_ = 	snop  }
__scs_overlays_trampoline_lowered:
0x8: {  	[smem:$0x3FAE] =	sst s0  }
0x9: {  	[smem:$0x3FAF] =	sst s1  }
0xa: {  	[smem:$0x3FB0] =	sst s2  }
0xb: {  	[smem:$0x3FB1] =	sst s3  }
0xc: {  	[smem:$0x3FB2] =	sst s4  }
0xd: {  	[smem:$0x3FB3] =	sst s5  }
0xe: {  	[smem:$0x3FB4] =	sst s6  }
0xf: {  	[smem:$0x3FB5] =	sst s7  }
0x10: {  	[smem:$0x3FB6] =	sst s8  }
0x11: {  	[smem:$0x3FB7] =	sst s9;
	s0 =	simm.s32 @!p0 $0x0  }
0x12: {  	s1 =	sld [smem:$0x3F9D];
	s0 =	simm.s32 @p0 $0x1  }
0x13: {  	[smem:$0x3FB8] =	sst s0;
	s0 =	simm.s32 @!p1 $0x0  }
0x14: {  	s2 =	sld [smem:$0x3F9C];
	s0 =	simm.s32 @p1 $0x1  }
0x15: {  	[smem:$0x3FB9] =	sst s0;
	s0 =	simm.s32 @!p2 $0x0  }
0x16: {  	s3 =	sld [smem:$0x3FDB];
	s0 =	simm.s32 @p2 $0x1  }
0x17: {  	s4 =	simm.s32 $0x1BF5;
	[smem:$0x3FBB] =	sst s0  }
0x18: {  	s0 =	sld [smem:$0x3F9E];
	_ =	swait.ge [sflag:s4], $0x0  }
0x19: {  	s7 =	sld [smem:$0x3F9F]  }
0x1a: {  	s8 =	sadd.s32 $0xFFFFE003, lr  }
0x1b: {  	s9 =	sadd.s32 $0xFFFFFEF7, lr;
	s5 =	simm.s32 $0xFFFFFFFF;
	p2 =	slt.u32 s8, $0xFFFFF086  }
0x1c: {  	p1 =	slt.u32 s9, $0xF7A;
	s5 =	simm.s32 @!p2 $0x0  }
0x1d: {  	s5 =	simm.s32 @p1 $0x1;
	p0 =	seq.s32 s7, s2  }
0x1e: {  	s7 =	smul.u32 @!p0 $0xF7A, s2;
	p2 =	seq.s32 @!p0 s5, $0x0  }
0x1f: {  	s9 =	smul.u32 $0xF7A, s1;
	s8 =	simm.s32 @!p0 $0x1BF5;
	p2 =	por !p2, p0  }
0x20: {  	[sflag:s8] =	ssyncset.s32 @!p0 $0xFFFFF086;
	s6 =	sadd.s32 @!p0 s3, s7;
	s7 =	simm.s32 @!p0 $0x108  }
0x21: {  	s3 =	sadd.s32 s3, s9;
	s6 =	sadd.s32 @!p0 $0x88, s6;
	s7 =	simm.s32 @p2 $0x1082  }
0x22: {  	[simem:s7], [sflag:s8] =	dma.local @!p0 [hbm:s6], $0xF7A  }
0x23: {  	s9 =	sor.u32 $0xD0000000, s2;
	s6 =	simm.s32 $0x108;
	_ =	swait.ge @!p0 [sflag:s8], $0x0  }
0x24: {  	s3 =	sadd.s32 $0x88, s3;
	s6 =	simm.s32 @!p1 $0x1082;
	[sflag:s4] =	ssyncset.s32 $0xFFFFF086  }
0x25: {  	[simem:s6], [sflag:s4] =	dma.local [hbm:s3], $0xF7A  }
0x26: {  	[smem:$0x3F9F] =	sst s1;
	(tag) =	ssettag s2;
	_ =	strace s9  }
0x27: {  	s1 =	sld [smem:$0x3FAF]  }
0x28: {  	s2 =	sld [smem:$0x3FB0]  }
0x29: {  	s4 =	sld [smem:$0x3FB2]  }
0x2a: {  	p0 =	seq.s32 s5, $0x0;
	s5 =	sld [smem:$0x3FB3]  }
0x2b: {  	s6 =	sld [smem:$0x3FB4]  }
0x2c: {  	s7 =	sld [smem:$0x3FB5]  }
0x2d: {  	s3 =	simm.s32 $0x108;
	s8 =	sld [smem:$0x3FB6]  }
0x2e: {  	s3 =	simm.s32 @!p0 $0x1082;
	s9 =	sld [smem:$0x3FB7]  }
0x2f: {  	lr =	sadd.s32 s0, s3;
	s0 =	sld [smem:$0x3FAE]  }
0x30: {  	s3 =	sld [smem:$0x3FB1]  }
0x31: {  	[smem:$0x3FBA] =	sst s10  }
0x32: {  	s10 =	sld [smem:$0x3FB8];
	_ =	sdelay $0x3  }
0x33: {  	p0 =	seq.s32 s10, $0x1;
	s10 =	sld [smem:$0x3FBA];
	_ =	sdelay $0x3  }
0x34: {  	[smem:$0x3FBA] =	sst s10  }
0x35: {  	s10 =	sld [smem:$0x3FB9];
	_ =	sdelay $0x3  }
0x36: {  	p1 =	seq.s32 s10, $0x1;
	s10 =	sld [smem:$0x3FBA];
	_ =	sdelay $0x3  }
0x37: {  	[smem:$0x3FBA] =	sst s10  }
0x38: {  	s10 =	sld [smem:$0x3FBB]  }
0x39: {  	_ = 	snop;
	(pc) =	sbr.ind lr, $3  }
0x3a: {  	_ = 	snop  }
0x3b: {  	_ = 	snop  }
0x3c: {  	p2 =	seq.s32 s10, $0x1;
	s10 =	sld [smem:$0x3FBA]  }
0x3d: {  	_ =	shalt  }
0x3e: {  	_ =	shalt  }
0x3f: {  	_ =	shalt  }
0x40: {  	_ =	shalt  }
0x41: {  	_ =	shalt  }
0x42: {  	_ =	shalt  }
0x43: {  	_ =	shalt  }
0x44: {  	_ =	shalt  }
0x45: {  	_ =	shalt  }
0x46: {  	_ =	shalt  }
0x47: {  	_ =	shalt  }
0x48: {  	_ =	shalt  }
0x49: {  	_ =	shalt  }
0x4a: {  	_ =	shalt  }
0x4b: {  	_ =	shalt  }
0x4c: {  	_ =	shalt  }
0x4d: {  	_ =	shalt  }
0x4e: {  	_ =	shalt  }
0x4f: {  	_ =	shalt  }
0x50: {  	_ =	shalt  }
0x51: {  	_ =	shalt  }
0x52: {  	_ =	shalt  }
0x53: {  	_ =	shalt  }
0x54: {  	_ =	shalt  }
0x55: {  	_ =	shalt  }
0x56: {  	_ =	shalt  }
0x57: {  	_ =	shalt  }
0x58: {  	_ =	shalt  }
0x59: {  	_ =	shalt  }
0x5a: {  	_ =	shalt  }
0x5b: {  	_ =	shalt  }
0x5c: {  	_ =	shalt  }
0x5d: {  	_ =	shalt  }
0x5e: {  	_ =	shalt  }
0x5f: {  	_ =	shalt  }
0x60: {  	_ =	shalt  }
0x61: {  	_ =	shalt  }
0x62: {  	_ =	shalt  }
0x63: {  	_ =	shalt  }
0x64: {  	_ =	shalt  }
0x65: {  	_ =	shalt  }
0x66: {  	_ =	shalt  }
0x67: {  	_ =	shalt  }
0x68: {  	_ =	shalt  }
0x69: {  	_ =	shalt  }
0x6a: {  	_ =	shalt  }
0x6b: {  	_ =	shalt  }
0x6c: {  	_ =	shalt  }
0x6d: {  	_ =	shalt  }
0x6e: {  	_ =	shalt  }
0x6f: {  	_ =	shalt  }
0x70: {  	_ =	shalt  }
0x71: {  	_ =	shalt  }
0x72: {  	_ =	shalt  }
0x73: {  	_ =	shalt  }
0x74: {  	_ =	shalt  }
0x75: {  	_ =	shalt  }
0x76: {  	_ =	shalt  }
0x77: {  	_ =	shalt  }
0x78: {  	_ =	shalt  }
0x79: {  	_ =	shalt  }
0x7a: {  	_ =	shalt  }
0x7b: {  	_ =	shalt  }
0x7c: {  	_ =	shalt  }
0x7d: {  	_ =	shalt  }
0x7e: {  	_ =	shalt  }
0x7f: {  	_ =	shalt  }
0x80: {  	_ =	shalt  }
0x81: {  	_ =	shalt  }
0x82: {  	_ =	shalt  }
0x83: {  	_ =	shalt  }
0x84: {  	_ =	shalt  }
0x85: {  	_ =	shalt  }
0x86: {  	_ =	shalt  }
0x87: {  	_ =	shalt  }
.Lfunc_end0:
.L_simem_size_0:
called_computation_lowered:
.L_overlay_start_0:
0x88: {  	s2 =	sld [smem:$0x3FD9]  }
0x89: {  	s3 =	sld [smem:$0x3FFE];
	_ =	sdelay $0x1  }
0x8a: {  	s1 =	srdreg.scid  }
0x8b: {  	s0 =	sand.u32 $0x1, s1  }
0x8c: {  	s14 =	sshll.u32 s0, $0xA;
	s2 =	sadd.s32 s3, s2  }
0x8d: {  	s2 =	sadd.s32 s2, s14  }
0x8e: {  	[smem:$0x3FC6] =	sst s2  }
0x8f: {  	_ = 	snop  }
0x90: {  	s2 =	sld [smem:$0x3FD0];
	_ =	sdelay $0x2  }
0x91: {  	s15 =	simm.s32 $0xA;
	s4 =	simm.s32 $0x10  }
0x92: {  	[smem:s4], [sflag:s15] =	dma.local [hbm:s2], $0x1  }
0x93: {  	_ =	swait.eq [sflag:s15], $0x1  }
0x94: {  	[sflag:s15] =	ssyncset.done $0x0  }
0x95: {  	[sflag:s15] =	ssyncadd.s32 $0xFFFFFFFF  }
0x96: {  	s16 =	sld [smem:$0x10];
	(tm) =	ssettm $0x1  }
0x97: {  	s17 =	sld [smem:$0x3FFB];
	_ =	sdelay $0x3  }
0x98: {  	_ =	strace s17  }
0x99: {  	s3 =	sld [smem:$0x3FFC];
	_ =	sdelay $0x3  }
0x9a: {  	_ =	strace s3  }
0x9b: {  	s3 =	sld [smem:$0x3FFD];
	_ =	sdelay $0x3  }
0x9c: {  	_ =	strace s3  }
0x9d: {  	_ =	strace $0x8FFFFFFF  }
0x9e: {  	s18 =	sld [smem:$0x3FDB];
	_ =	sdelay $0x1  }
0x9f: {  	s19 =	simm.s32 $_scs_section_size  }
0xa0: {  	s5 =	simm.s32 $_size__tile_overlayer_lowered;
	s6 =	simm.s32 $_tile_overlayer_lowered  }
0xa1: {  	s22 =	simm.s32 $0x1BFF;
	s21 =	sshll.u32 s6, $0x1;
	s3 =	sadd.s32 s19, s18  }
0xa2: {  	s7 =	simm.s32 $0x0;
	s20 =	sshll.u32 s5, $0x1;
	s5 =	sadd.s32 s21, s3  }
0xa3: {  	[timem:s7], [sflag:s22] =	dma.local [hbm:s5], s20  }
0xa4: {  	_ =	swait.ge [sflag:s22], s20  }
0xa5: {  	s4 =	ssub.s32 $0x0, s20;
	[sflag:s22] =	ssyncset.done $0x0  }
0xa6: {  	[sflag:s22] =	ssyncadd.s32 s4;
	_ =	sdelay $0x1  }
0xa7: {  	s23 =	simm.s32 $0x1B8B  }
0xa8: {  	_ =	swait.ge [sflag:s23], $0x1  }
0xa9: {  	[sflag:s23] =	ssyncset.done $0x0  }
0xaa: {  	s25 =	simm.s32 $0x1B8E;
	s24 =	sld [smem:$0x3FFE];
	[sflag:s23] =	ssyncadd.s32 $0xFFFFFFFF  }
0xab: {  	s26 =	simm.s32 $execute0_lowered;
	[smem:$0x3FD2] =	sst s25  }
0xac: {  	s5 =	sshll.u32 s26, $0x1;
	_ =	strace $0x80000046;
	[dreg:$0x1] =	wrdreg $0xFFFFFFFF  }
0xad: {  	s28 =	simm.s32 $_size_execute0_lowered;
	s3 =	sadd.s32 s3, s5;
	[dreg:$0x0] =	wrdreg $0x0  }
0xae: {  	s5 =	sshll.u32 s28, $0x1;
	[dreg:$0x2] =	wrdreg s3  }
0xaf: {  	[dreg:$0x3] =	wrdreg s5  }
0xb0: {  	[dreg:$0x4] =	wrdreg $0xC0  }
0xb1: {  	_ =	task [dreg:s7], $0x5FFFF  }
0xb2: {  	[dreg:$0x1] =	wrdreg $0xFFFFFFFF  }
0xb3: {  	[dreg:$0x0] =	wrdreg $0x60  }
0xb4: {  	[dreg:$0x2] =	wrdreg s24  }
0xb5: {  	[dreg:$0x3] =	wrdreg s16  }
0xb6: {  	[dreg:$0x4] =	wrdreg $0x25800  }
0xb7: {  	[dreg:$0x5] =	wrdreg $0x9  }
0xb8: {  	_ =	task.clear_ibuf [dreg:s7], $0x6FFFF;
	_ =	strace $0x90000046  }
0xb9: {  	s29 =	simm.s32 $0x9;
	_ =	strace $0x80000048  }
0xba: {  	_ =	swait.ge [sflag:s29], $0x1  }
0xbb: {  	[sflag:s29] =	ssyncadd.s32 $0xFFFFFFFF  }
0xbc: {  	_ =	strace $0x90000048  }
0xbd: {  	_ =	sfence  }
0xbe: {  	s30 =	sld [smem:$0x0];
	_ =	sdelay $0x2  }
0xbf: {  	s31 =	sshll.u32 s1, $0xD;
	s1 =	sshrl.u32 s1, $0x2  }
0xc0: {  	s3 =	sand.u32 $0x4000, s31;
	s1 =	sadd.s32 s1, s30  }
0xc1: {  	s0 =	sor.u32 s3, s0;
	s1 =	sshll.u32 s1, $0x11  }
0xc2: {  	s0 =	sor.u32 s1, s0  }
0xc3: {  	s0 =	sadd.s32 $0x8F2B, s0  }
0xc4: {  	[sflag:s0] =	ssyncadd.remote.s32 $0x1  }
0xc5: {  	_ =	sfence.sel $0xFFFF  }
0xc6: {  	[dreg:$0x0] =	wrdreg $0xFFFFFFFF;
	(pc) =	sbr.abs _section_cstart, $3  }
0xc7: {  	[dreg:$0x1] =	wrdreg $0xFFFFFFFF  }
0xc8: {  	_ =	task.clear_ibuf [dreg:s7], $0x2FFFF;
	_ =	strace $0x9FFFFFFF  }
0xc9: {  	(tm) =	ssettm $0x7FFFFFFF  }
tec
execute0_lowered:
.L_overlay_start_1:
0x0: {  	(tag) =	ssettag $0x1  }
0x1: {  	s20 =	rddreg [dreg:$0x0]  }
0x2: {  	s18 =	rddreg [dreg:$0x1]  }
0x3: {  	s1 =	rddreg [dreg:$0x2];
	s2 =	simm.s32 $0x0  }
0x4: {  	v0 =	vimm.f32 $1.000000000e+00;
	[smem:$0x7FF] =	sst s2  }
0x5: {  	s0 =	rddreg [dreg:$0x3];
	_ =	strace $0x80000047;
	[tilespmem:$0x2540] =	vst v0  }
0x6: {  	[tilespmem:$0x2550] =	vst v0  }
0x7: {  	s3 =	srdreg.scid;
	s4 =	stileid.u32;
	[tilespmem:$0x2560] =	vst v0  }
0x8: {  	s21 =	sand.u32 $0x1, s3;
	s30 =	sshll.u32 s4, $0x1;
	p0 =	sne.s32 s4, $0x0;
	[tilespmem:$0x2570] =	vst v0  }
0x9: {  	s3 =	sadd.s32 $0x9200, s20;
	s19 =	sor.u32 s21, s30;
	[tilespmem:$0x2520] =	vst v0;
	s5 =	sshrl.u32 @!p0 s1, $0x3  }
0xa: {  	[tilespmem:$0x2530] =	vst v0;
	s6 =	simm.s32 @!p0 $0x1C02;
	s4 =	simm.s32 @!p0 $0x2;
	s7 =	smul.u32 $0x120, s19  }
0xb: {  	[spmem:s5], [sflag:s6] =	dma.local @!p0 [hbm:s3], $0x400  }
0xc: {  	_ =	swait.ge @!p0 [sflag:s4], $0x400;
	s7 =	sshrl.u32 s7, $0x3  }
0xd: {  	[sflag:s4] =	ssyncset.done @!p0 $0x0;
	s15 =	sadd.s32 s7, s20  }
0xe: {  	s8 =	simm.s32 $0x2;
	[sflag:s4] =	ssyncadd.s32 @!p0 $0xFFFFFC00;
	s7 =	sadd.s32 $0x8C00, s15  }
0xf: {  	[tilespmem:s2], [sflag:$0x2] =	stream.linear.gather [hbm4b:s7+s2], $0x60, $0x38;
	[tilespmem:$0x2780] =	vst v63  }
0x10: {  	_ =	swait.ge [sflag:s8], $0x60  }
0x11: {  	s10 =	simm.s32 $0x60;
	s11 =	simm.s32 $0x120;
	[sflag:s8] =	ssyncset.done $0x0  }
0x12: {  	s12 =	simm.s32 $0x1;
	s9 =	sadd.s32 $0xC00, s20;
	[sflag:s8] =	ssyncadd.s32 $0xFFFFFFA0  }
0x13: {  	[tilespmem:s11], [sflag:$0x1] =	stream.indirect.gather [hbm4b:s9+s10], $0x20, s2, s10, $0xb8;
	[tilespmem:$0x2780] =	vst v63  }
0x14: {  	_ =	swait.ge [sflag:s12], $0xC00  }
0x15: {  	[sflag:s12] =	ssyncset.done $0x0  }
0x16: {  	s13 =	sadd.s32 $0x8C0C, s15;
	[sflag:s12] =	ssyncadd.s32 $0xFFFFF400  }
0x17: {  	[tilespmem:s10], [sflag:$0x2] =	stream.linear.gather [hbm4b:s13+s2], $0x60, $0x38;
	[tilespmem:$0x2780] =	vst v63  }
0x18: {  	_ =	swait.ge [sflag:s8], $0x60  }
0x19: {  	[sflag:s8] =	ssyncset.done $0x0  }
0x1a: {  	s14 =	simm.s32 $0xD20;
	[sflag:s8] =	ssyncadd.s32 $0xFFFFFFA0  }
0x1b: {  	[tilespmem:s14], [sflag:$0x1] =	stream.indirect.gather [hbm4b:s9+s10], $0x20, s10, s10, $0xb8;
	[tilespmem:$0x2780] =	vst v63  }
0x1c: {  	_ =	swait.ge [sflag:s12], $0xC00  }
0x1d: {  	[sflag:s12] =	ssyncset.done $0x0  }
0x1e: {  	s16 =	simm.s32 $0xC0;
	s15 =	sadd.s32 $0x8C18, s15;
	[sflag:s12] =	ssyncadd.s32 $0xFFFFF400  }
0x1f: {  	[tilespmem:s16], [sflag:$0x2] =	stream.linear.gather [hbm4b:s15+s2], $0x60, $0x38;
	[tilespmem:$0x2780] =	vst v63  }
0x20: {  	_ =	swait.ge [sflag:s8], $0x60  }
0x21: {  	[sflag:s8] =	ssyncset.done $0x0  }
0x22: {  	s17 =	simm.s32 $0x1920;
	[sflag:s8] =	ssyncadd.s32 $0xFFFFFFA0  }
0x23: {  	[tilespmem:s17], [sflag:$0x1] =	stream.indirect.gather [hbm4b:s9+s10], $0x20, s16, s10, $0xb8;
	[tilespmem:$0x2780] =	vst v63  }
0x24: {  	s19 =	smul.u32 $0x480, s19;
	_ =	swait.ge [sflag:s12], $0xC00  }
0x25: {  	[sflag:s12] =	ssyncset.done $0x0  }
0x26: {  	s18 =	sadd.s32 s18, s19;
	[sflag:s12] =	ssyncadd.s32 $0xFFFFF400  }
0x27: {  	[hbm4b:s18+s2] =	stream.linear.scatter [tilespmem:s11], [sflag:$0x2], $0x2400, $0x38;
	[tilespmem:$0x2780] =	vst v63  }
0x28: {  	_ =	swait.ge [sflag:s8], $0x2400  }
0x29: {  	[sflag:s8] =	ssyncset.done $0x0  }
0x2a: {  	[sflag:s8] =	ssyncadd.s32 $0xFFFFDC00  }
0x2b: {  	s19 =	simm.s32 $0x2520;
	[bflag:$0x0] =	sbarrier.arrive $0xFFFF  }
0x2c: {  	[spmem:s1] =	stream.indirect.scatter.add.f32 [tilespmem:s19], [sflag:$0x2], $0x1, s2, s10, $0xb8;
	[tilespmem:$0x2780] =	vst v63  }
0x2d: {  	_ =	swait.ge [sflag:s8], $0x60  }
0x2e: {  	[sflag:s8] =	ssyncset.done $0x0  }
0x2f: {  	s22 =	ssub.s32 $0x2, s21;
	[sflag:s8] =	ssyncadd.s32 $0xFFFFFFA0  }
0x30: {  	[spmem:s1] =	stream.indirect.scatter.add.f32 [tilespmem:s19], [sflag:$0x2], $0x1, s10, s10, $0xb8;
	[tilespmem:$0x2780] =	vst v63  }
0x31: {  	s23 =	sshrl.u32 s22, $0x1;
	_ =	swait.ge [sflag:s8], $0x60  }
0x32: {  	s22 =	ssub.s32 s22, s23;
	[sflag:s8] =	ssyncset.done $0x0  }
0x33: {  	s21 =	sshll.u32 s21, $0xA;
	s31 =	smax.u32 s22, $0x1;
	[sflag:s8] =	ssyncadd.s32 $0xFFFFFFA0  }
0x34: {  	[spmem:s1] =	stream.indirect.scatter.add.f32 [tilespmem:s19], [sflag:$0x2], $0x1, s16, s10, $0xb8;
	[tilespmem:$0x2780] =	vst v63  }
0x35: {  	s20 =	sadd.s32 s21, s20;
	s21 =	sadd.s32 $0xFFFFFFFF, s31;
	_ =	swait.ge [sflag:s8], $0x60  }
0x36: {  	p1 =	sne.s32 s21, $0x0;
	[sflag:s8] =	ssyncset.done $0x0  }
.Ltmp0:
0x37: {  	[sflag:s8] =	ssyncadd.s32 $0xFFFFFFA0;
	(pc) =	sbr.rel @!p1 .LBB2_2-.Ltmp0, $4  }
0x38: {  	s20 =	sadd.s32 $0x9600, s20;
	[bflag:$0x0] =	sbarrier.arrive $0xFFFF  }
0x39: {  	[hbm:s20], [sflag:s6] =	dma.local @!p0 [spmem:s5], $0x400  }
0x3a: {  	_ =	swait.ge @!p0 [sflag:s4], $0x400  }
0x3b: {  	[sflag:s4] =	ssyncset.done @!p0 $0x0  }
.LBB2_1:
0x3c: {  	s21 =	sadd.s32 $0xFFFFFFFF, s21;
	[sflag:s4] =	ssyncadd.s32 @!p0 $0xFFFFFC00  }
0x3d: {  	[tilespmem:$0x2540] =	vst v0;
	p1 =	sne.s32 s21, $0x0  }
0x3e: {  	[tilespmem:$0x2550] =	vst v0  }
0x3f: {  	[tilespmem:$0x2560] =	vst v0  }
0x40: {  	[tilespmem:$0x2570] =	vst v0  }
0x41: {  	[tilespmem:$0x2520] =	vst v0  }
0x42: {  	[tilespmem:$0x2530] =	vst v0  }
0x43: {  	[spmem:s5], [sflag:s6] =	dma.local @!p0 [hbm:s3], $0x400  }
0x44: {  	_ =	swait.ge @!p0 [sflag:s4], $0x400  }
0x45: {  	[sflag:s4] =	ssyncset.done @!p0 $0x0  }
0x46: {  	[sflag:s4] =	ssyncadd.s32 @!p0 $0xFFFFFC00  }
0x47: {  	[tilespmem:s2], [sflag:$0x2] =	stream.linear.gather [hbm4b:s7+s2], $0x60, $0x38;
	[tilespmem:$0x2780] =	vst v63  }
0x48: {  	_ =	swait.ge [sflag:s8], $0x60  }
0x49: {  	[sflag:s8] =	ssyncset.done $0x0  }
0x4a: {  	[sflag:s8] =	ssyncadd.s32 $0xFFFFFFA0  }
0x4b: {  	[tilespmem:s11], [sflag:$0x1] =	stream.indirect.gather [hbm4b:s9+s10], $0x20, s2, s10, $0xb8;
	[tilespmem:$0x2780] =	vst v63  }
0x4c: {  	_ =	swait.ge [sflag:s12], $0xC00  }
0x4d: {  	[sflag:s12] =	ssyncset.done $0x0  }
0x4e: {  	[sflag:s12] =	ssyncadd.s32 $0xFFFFF400  }
0x4f: {  	[tilespmem:s10], [sflag:$0x2] =	stream.linear.gather [hbm4b:s13+s2], $0x60, $0x38;
	[tilespmem:$0x2780] =	vst v63  }
0x50: {  	_ =	swait.ge [sflag:s8], $0x60  }
0x51: {  	[sflag:s8] =	ssyncset.done $0x0  }
0x52: {  	[sflag:s8] =	ssyncadd.s32 $0xFFFFFFA0  }
0x53: {  	[tilespmem:s14], [sflag:$0x1] =	stream.indirect.gather [hbm4b:s9+s10], $0x20, s10, s10, $0xb8;
	[tilespmem:$0x2780] =	vst v63  }
0x54: {  	_ =	swait.ge [sflag:s12], $0xC00  }
0x55: {  	[sflag:s12] =	ssyncset.done $0x0  }
0x56: {  	[sflag:s12] =	ssyncadd.s32 $0xFFFFF400  }
0x57: {  	[tilespmem:s16], [sflag:$0x2] =	stream.linear.gather [hbm4b:s15+s2], $0x60, $0x38;
	[tilespmem:$0x2780] =	vst v63  }
0x58: {  	_ =	swait.ge [sflag:s8], $0x60  }
0x59: {  	[sflag:s8] =	ssyncset.done $0x0  }
0x5a: {  	[sflag:s8] =	ssyncadd.s32 $0xFFFFFFA0  }
0x5b: {  	[tilespmem:s17], [sflag:$0x1] =	stream.indirect.gather [hbm4b:s9+s10], $0x20, s16, s10, $0xb8;
	[tilespmem:$0x2780] =	vst v63  }
0x5c: {  	_ =	swait.ge [sflag:s12], $0xC00  }
0x5d: {  	[sflag:s12] =	ssyncset.done $0x0  }
0x5e: {  	[sflag:s12] =	ssyncadd.s32 $0xFFFFF400  }
0x5f: {  	[hbm4b:s18+s2] =	stream.linear.scatter [tilespmem:s11], [sflag:$0x2], $0x2400, $0x38;
	[tilespmem:$0x2780] =	vst v63  }
0x60: {  	_ =	swait.ge [sflag:s8], $0x2400  }
0x61: {  	[sflag:s8] =	ssyncset.done $0x0  }
0x62: {  	[sflag:s8] =	ssyncadd.s32 $0xFFFFDC00  }
0x63: {  	[bflag:$0x0] =	sbarrier.arrive $0xFFFF  }
0x64: {  	[spmem:s1] =	stream.indirect.scatter.add.f32 [tilespmem:s19], [sflag:$0x2], $0x1, s2, s10, $0xb8;
	[tilespmem:$0x2780] =	vst v63  }
0x65: {  	_ =	swait.ge [sflag:s8], $0x60  }
0x66: {  	[sflag:s8] =	ssyncset.done $0x0  }
0x67: {  	[sflag:s8] =	ssyncadd.s32 $0xFFFFFFA0  }
0x68: {  	[spmem:s1] =	stream.indirect.scatter.add.f32 [tilespmem:s19], [sflag:$0x2], $0x1, s10, s10, $0xb8;
	[tilespmem:$0x2780] =	vst v63  }
0x69: {  	_ =	swait.ge [sflag:s8], $0x60  }
0x6a: {  	[sflag:s8] =	ssyncset.done $0x0  }
0x6b: {  	[sflag:s8] =	ssyncadd.s32 $0xFFFFFFA0  }
0x6c: {  	[spmem:s1] =	stream.indirect.scatter.add.f32 [tilespmem:s19], [sflag:$0x2], $0x1, s16, s10, $0xb8;
	[tilespmem:$0x2780] =	vst v63  }
0x6d: {  	_ =	swait.ge [sflag:s8], $0x60  }
0x6e: {  	[sflag:s8] =	ssyncset.done $0x0  }
.Ltmp1:
0x6f: {  	[sflag:s8] =	ssyncadd.s32 $0xFFFFFFA0;
	(pc) =	sbr.rel @p1 .LBB2_1-.Ltmp1, $4  }
0x70: {  	[bflag:$0x0] =	sbarrier.arrive $0xFFFF  }
0x71: {  	[hbm:s20], [sflag:s6] =	dma.local @!p0 [spmem:s5], $0x400  }
0x72: {  	_ =	swait.ge @!p0 [sflag:s4], $0x400  }
0x73: {  	[sflag:s4] =	ssyncset.done @!p0 $0x0  }
.LBB2_2:
0x74: {  	[sflag:s4] =	ssyncadd.s32 @!p0 $0xFFFFFC00  }
0x75: {  	_ =	sfence.sel $0x180000  }
0x76: {  	[bflag:$0x0] =	sbarrier.arrive $0xFFFF  }
0x77: {  	_ =	strace $0x90000047  }
0x78: {  	s0 =	sadd.s32 @!p0 $0x100000, s0;
	[bflag:$0x2] =	sbarrier.arrive $0xFFFF  }
0x79: {  	[sflag:s0] =	ssyncadd.tile.s32 @!p0 $0x1;
	_ =	shalt  }
.Lfunc_end2:
_tile_overlayer_lowered:
.L_overlay_start_2:
0x7a: {  	(tag) =	ssettag $0x2  }
0x7b: {  	s0 =	rddreg [dreg:$0x0];
	s2 =	stileid.u32  }
0x7c: {  	s1 =	rddreg [dreg:$0x1];
	p0 =	sne.s32 s2, $0x0  }
0x7d: {  	s3 =	rddreg [dreg:$0x2];
	[bflag:$0x3] =	sbarrier.arrive $0xFFFF;
	s2 =	simm.s32 @!p0 $0x1C02  }
0x7e: {  	[timem:s3], [sflag:s2] =	dma.local @!p0 [hbm:s0], s1  }
0x7f: {  	s0 =	simm.s32 @!p0 $0x2  }
0x80: {  	_ =	swait.ge @!p0 [sflag:s0], s1  }
0x81: {  	s1 =	ssub.s32 @!p0 $0x0, s1;
	[sflag:s0] =	ssyncset.done @!p0 $0x0  }
0x82: {  	[sflag:s0] =	ssyncadd.s32 @!p0 s1  }
0x83: {  	[bflag:$0x3] =	sbarrier.arrive $0xFFFF  }
0x84: {  	_ =	shalt  }

</sc_bundles>
